<compile_context>
chip_gen: v7x
topology: tpu7x:2x2x1
jax: 0.10.2.dev20260603
libtpu: 0.0.44.dev20260713+nightly
codegen_flags: <defaults>
</compile_context>

<pallas_src>
import functools

import numpy as np
import jax
import jax.numpy as jnp
from jax import lax
from jax.experimental import pallas as pl
from jax.experimental.pallas import tpu as pltpu
from jax.experimental.pallas import tpu_sc as plsc

B, L = 16, 2048
_RATE = 0.1
NC, NS = 2, 16
NW = NC * NS
CHUNK = (B * L) // NW
ZERO_SLOT = L


def _threefry2x32_pair(k1, k2, x0, x1):
    with np.errstate(over="ignore"):
        x0 = x0.astype(np.uint32).copy()
        x1 = x1.astype(np.uint32).copy()
        ks = [
            np.uint32(k1),
            np.uint32(k2),
            np.uint32(k1) ^ np.uint32(k2) ^ np.uint32(0x1BD11BDA),
        ]
        rot = [(13, 15, 26, 6), (17, 29, 16, 24)]

        def rotl(v, d):
            return (v << np.uint32(d)) | (v >> np.uint32(32 - d))

        x0 = x0 + ks[0]
        x1 = x1 + ks[1]
        sched = [(0, 1, 2, 1), (1, 2, 0, 2), (0, 0, 1, 3), (1, 1, 2, 4), (0, 2, 0, 5)]
        for ri, ka, kb, i in sched:
            for r in rot[ri]:
                x0 = x0 + x1
                x1 = rotl(x1, r)
                x1 = x0 ^ x1
            x0 = x0 + ks[ka]
            x1 = x1 + ks[kb] + np.uint32(i)
    return x0, x1


def _np_random_bits(key, shape):
    n = int(np.prod(shape))
    b1, b2 = _threefry2x32_pair(
        key[0], key[1], np.zeros(n, np.uint32), np.arange(n, dtype=np.uint32)
    )
    return (b1 ^ b2).reshape(shape)


def _np_uniform01(key, shape):
    bits = _np_random_bits(key, shape)
    fb = (bits >> np.uint32(9)) | np.uint32(0x3F800000)
    return fb.view(np.float32) - np.float32(1.0)


def _build_constants():
    b1, b2 = _threefry2x32_pair(
        np.uint32(0), np.uint32(42), np.zeros(2, np.uint32), np.arange(2, dtype=np.uint32)
    )
    k_binom = np.array([b1[0], b2[0]], dtype=np.uint32)
    k_shuffle = np.array([b1[1], b2[1]], dtype=np.uint32)
    bern = _np_uniform01(k_binom, (B, L)) < np.float32(_RATE)
    num_to_select = bern.sum(axis=1).astype(np.int32)
    u = _np_uniform01(k_shuffle, (B, L))
    perm = np.argsort(u, axis=1, kind="stable")
    rank = np.argsort(perm, axis=1, kind="stable")
    keep_mask = rank >= num_to_select[:, None]
    order = np.argsort(np.where(keep_mask, 0, 1).astype(np.int32), axis=1, kind="stable")
    counts = keep_mask.sum(axis=1).astype(np.int32)
    valid = np.arange(L, dtype=np.int32)[None, :] < counts[:, None]
    idx = np.where(valid, order, ZERO_SLOT).astype(np.int32)
    return idx.reshape(-1), counts


_IDX_FLAT, _COUNTS = _build_constants()

_mesh = plsc.VectorSubcoreMesh(core_axis_name="c", subcore_axis_name="s")


@functools.partial(
    pl.kernel,
    mesh=_mesh,
    compiler_params=pltpu.CompilerParams(needs_layout_passes=False),
    out_type=(
        jax.ShapeDtypeStruct((B * L,), jnp.int32),
        jax.ShapeDtypeStruct((B,), jnp.int32),
    ),
    scratch_types=[
        pltpu.VMEM((L + 16,), jnp.int32),
        pltpu.VMEM((CHUNK,), jnp.int32),
        pltpu.VMEM((CHUNK,), jnp.int32),
        pltpu.VMEM((B,), jnp.int32),
    ],
)
def _sc_random_deletion(
    tokens_hbm, idx_hbm, counts_hbm, out_hbm, counts_out_hbm,
    row_buf, idx_buf, out_buf, cnt_buf,
):
    wid = lax.axis_index("s") * NC + lax.axis_index("c")
    row = wid // 2
    base = wid * CHUNK
    pltpu.sync_copy(tokens_hbm.at[pl.ds(row * L, L)], row_buf.at[pl.ds(0, L)])
    pltpu.sync_copy(idx_hbm.at[pl.ds(base, CHUNK)], idx_buf)
    row_buf[pl.ds(L, 16)] = jnp.zeros((16,), jnp.int32)

    def body(j, carry):
        iv = idx_buf[pl.ds(j * 16, 16)]
        out_buf[pl.ds(j * 16, 16)] = plsc.load_gather(row_buf, [iv])
        return carry

    lax.fori_loop(0, CHUNK // 16, body, 0)
    pltpu.sync_copy(out_buf, out_hbm.at[pl.ds(base, CHUNK)])

    @pl.when(wid == 0)
    def _():
        pltpu.sync_copy(counts_hbm, cnt_buf)
        pltpu.sync_copy(cnt_buf, counts_out_hbm)


def kernel(tokens):
    out_flat, counts = _sc_random_deletion(
        tokens.reshape(-1), jnp.asarray(_IDX_FLAT), jnp.asarray(_COUNTS)
    )
    return out_flat.reshape(B, L), counts

# --- scband reference (transcript-rebuilt; emitter-appended) ---
"""Pipeline reference for scband-random-deletion-31404800868434 (READ-ONLY COPY).

The authoritative reference and input builder live on the scoring server;
editing this copy changes nothing except your own understanding.
"""

import jax, jax.numpy as jnp
import numpy as np

RATE = 0.1
MAX_DELETIONS = None


def setup_inputs(seed: int = 0) -> dict:
    key = jax.random.key(seed)
    tokens = jax.random.randint(key, (16, 2048), 0, 50000, dtype=jnp.int32)
    return {"tokens": tokens}


def reference(tokens):
    # Faithful JAX translation of keras_nlp RandomDeletion.call on a dense rank-2
    # input (which the original converts to a ragged tensor with full row lengths).
    # Ragged output is represented as (padded_tokens, row_lengths): kept tokens are
    # compacted to the front of each row (stable order preserved, as in
    # tf.ragged.boolean_mask), remaining slots zero-padded.
    B, L = tokens.shape
    key = jax.random.key(42)
    k_binom, k_shuffle = jax.random.split(key)

    # num_to_select ~ Binomial(row_length, rate), realized as a sum of Bernoullis
    # (exactly the binomial distribution; avoids jax version issues).
    bern = jax.random.bernoulli(k_binom, RATE, (B, L))
    num_to_select = jnp.sum(bern, axis=1).astype(jnp.int32)
    if MAX_DELETIONS is not None:
        num_to_select = jnp.minimum(num_to_select, MAX_DELETIONS)

    # Shuffle positions per row and take the first num_to_select for deletion:
    # position p is selected iff its rank in a random permutation is < num_to_select.
    u = jax.random.uniform(k_shuffle, (B, L))
    perm = jnp.argsort(u, axis=1)
    rank = jnp.argsort(perm, axis=1)
    delete_mask = rank < num_to_select[:, None]
    keep_mask = jnp.logical_not(delete_mask)

    # tf.ragged.boolean_mask equivalent: stable compaction of kept tokens.
    order = jnp.argsort(jnp.where(keep_mask, 0, 1).astype(jnp.int32), axis=1, stable=True)
    compacted = jnp.take_along_axis(tokens, order, axis=1)
    keep_counts = jnp.sum(keep_mask, axis=1).astype(jnp.int32)
    valid = jnp.arange(L, dtype=jnp.int32)[None, :] < keep_counts[:, None]
    out = jnp.where(valid, compacted, jnp.zeros_like(compacted))
    return out, keep_counts

if __name__ == "__main__":
    import jax
    _d = setup_inputs()
    print(jax.jit(kernel)(*tuple(_d.values())))

</pallas_src>

<mosaic_0001>
#map = affine_map<(d0, d1) -> (0)>
module attributes {stable_mosaic.version = 14 : i64} {
  func.func @_sc_random_deletion(%arg0: i32, %arg1: i32, %arg2: memref<32768xi32, #tpu.memory_space<hbm>>, %arg3: memref<32768xi32, #tpu.memory_space<hbm>>, %arg4: memref<16xi32, #tpu.memory_space<hbm>>, %arg5: memref<32768xi32, #tpu.memory_space<hbm>>, %arg6: memref<16xi32, #tpu.memory_space<hbm>>, %arg7: memref<2064xi32, #tpu.memory_space<vmem>>, %arg8: memref<1024xi32, #tpu.memory_space<vmem>>, %arg9: memref<1024xi32, #tpu.memory_space<vmem>>, %arg10: memref<16xi32, #tpu.memory_space<vmem>>) attributes {dimension_semantics = [#tpu.dimension_semantics<core_parallel>, #tpu.dimension_semantics<subcore_parallel>], iteration_bounds = array<i64: 2, 16>, scalar_prefetch = 0 : i64, scratch_operands = 4 : i64, tpu.core_type = #tpu.core_type<sc_vector_subcore>, window_params = [{transform_indices = #map}, {transform_indices = #map}, {transform_indices = #map}, {transform_indices = #map}, {transform_indices = #map}]} {
    %mul3A = arith.constant 2 : i32
    %mul3A_0 = arith.muli %arg1, %mul3A : i32
    %add3A = arith.addi %mul3A_0, %arg0 : i32
    %jit3A = arith.constant 2 : i32
    %div3A = arith.divsi %add3A, %jit3A : i32
    %sign3A = arith.constant 0 : i32
    %sign3A_1 = arith.cmpi sgt, %add3A, %sign3A : i32
    %sign3A_2 = arith.extui %sign3A_1 : i1 to i32
    %sign3A_3 = arith.constant 0 : i32
    %sign3A_4 = arith.cmpi slt, %add3A, %sign3A_3 : i32
    %sign3A_5 = arith.extui %sign3A_4 : i1 to i32
    %sign3A_6 = arith.subi %sign3A_2, %sign3A_5 : i32
    %sign3A_7 = arith.constant 0 : i32
    %sign3A_8 = arith.cmpi sgt, %jit3A, %sign3A_7 : i32
    %sign3A_9 = arith.extui %sign3A_8 : i1 to i32
    %sign3A_10 = arith.constant 0 : i32
    %sign3A_11 = arith.cmpi slt, %jit3A, %sign3A_10 : i32
    %sign3A_12 = arith.extui %sign3A_11 : i1 to i32
    %sign3A_13 = arith.subi %sign3A_9, %sign3A_12 : i32
    %ne3A = arith.cmpi ne, %sign3A_6, %sign3A_13 : i32
    %rem3A = arith.remsi %add3A, %jit3A : i32
    %ne3A_14 = arith.constant 0 : i32
    %ne3A_15 = arith.cmpi ne, %rem3A, %ne3A_14 : i32
    %and3A = arith.andi %ne3A, %ne3A_15 : i1
    %sub3A = arith.constant 1 : i32
    %sub3A_16 = arith.subi %div3A, %sub3A : i32
    %select_n3A = arith.select %and3A, %sub3A_16, %div3A : i32
    %mul3A_17 = arith.constant 1024 : i32
    %mul3A_18 = arith.muli %add3A, %mul3A_17 : i32
    %mul3A_19 = arith.constant 2048 : i32
    %mul3A_20 = arith.muli %select_n3A, %mul3A_19 : i32
    "tpu.region"() ({
      %run_scoped3A = tpu.sem_alloc : memref<!tpu.dma_semaphore, #tpu.memory_space<semaphore_mem>>
      %dma_start3A = arith.constant 0 : i32
      %dma_start3A_30 = tpu.memref_slice %arg7[%dma_start3A] : memref<2064xi32, #tpu.memory_space<vmem>> -> memref<2048xi32, #tpu.memory_space<vmem>>
      %dma_start3A_31 = tpu.memref_slice %arg2[%mul3A_20] : memref<32768xi32, #tpu.memory_space<hbm>> -> memref<2048xi32, #tpu.memory_space<hbm>>
      %dma_start3A_32 = arith.constant 0 : i32
      %dma_start3A_33 = tpu.memref_slice %arg7[%dma_start3A_32] : memref<2064xi32, #tpu.memory_space<vmem>> -> memref<2048xi32, #tpu.memory_space<vmem>>
      %dma_start3A_34 = tpu.memref_slice %arg2[%mul3A_20] : memref<32768xi32, #tpu.memory_space<hbm>> -> memref<2048xi32, #tpu.memory_space<hbm>>
      tpu.enqueue_dma source(%dma_start3A_34 : memref<2048xi32, #tpu.memory_space<hbm>>) target(%dma_start3A_33 : memref<2048xi32, #tpu.memory_space<vmem>>) target_semaphore(%run_scoped3A : memref<!tpu.dma_semaphore, #tpu.memory_space<semaphore_mem>>)
      %dma_wait3A = arith.constant 0 : i32
      %dma_wait3A_35 = tpu.memref_slice %arg7[%dma_wait3A] : memref<2064xi32, #tpu.memory_space<vmem>> -> memref<2048xi32, #tpu.memory_space<vmem>>
      %dma_wait3A_36 = tpu.memref_slice %arg2[%mul3A_20] : memref<32768xi32, #tpu.memory_space<hbm>> -> memref<2048xi32, #tpu.memory_space<hbm>>
      %dma_wait3A_37 = arith.constant 0 : i32
      %dma_wait3A_38 = tpu.memref_slice %arg7[%dma_wait3A_37] : memref<2064xi32, #tpu.memory_space<vmem>> -> memref<2048xi32, #tpu.memory_space<vmem>>
      %dma_wait3A_39 = tpu.memref_slice %arg2[%mul3A_20] : memref<32768xi32, #tpu.memory_space<hbm>> -> memref<2048xi32, #tpu.memory_space<hbm>>
      tpu.wait_dma2 semaphore(%run_scoped3A : memref<!tpu.dma_semaphore, #tpu.memory_space<semaphore_mem>>) src(%dma_wait3A_39 : memref<2048xi32, #tpu.memory_space<hbm>>) dst(%dma_wait3A_38 : memref<2048xi32, #tpu.memory_space<vmem>>)
      tpu.yield
    }) : () -> ()
    "tpu.region"() ({
      %run_scoped3A = tpu.sem_alloc : memref<!tpu.dma_semaphore, #tpu.memory_space<semaphore_mem>>
      %dma_start3A = tpu.memref_slice %arg3[%mul3A_18] : memref<32768xi32, #tpu.memory_space<hbm>> -> memref<1024xi32, #tpu.memory_space<hbm>>
      %dma_start3A_30 = tpu.memref_slice %arg3[%mul3A_18] : memref<32768xi32, #tpu.memory_space<hbm>> -> memref<1024xi32, #tpu.memory_space<hbm>>
      tpu.enqueue_dma source(%dma_start3A_30 : memref<1024xi32, #tpu.memory_space<hbm>>) target(%arg8 : memref<1024xi32, #tpu.memory_space<vmem>>) target_semaphore(%run_scoped3A : memref<!tpu.dma_semaphore, #tpu.memory_space<semaphore_mem>>)
      %dma_wait3A = tpu.memref_slice %arg3[%mul3A_18] : memref<32768xi32, #tpu.memory_space<hbm>> -> memref<1024xi32, #tpu.memory_space<hbm>>
      %dma_wait3A_31 = tpu.memref_slice %arg3[%mul3A_18] : memref<32768xi32, #tpu.memory_space<hbm>> -> memref<1024xi32, #tpu.memory_space<hbm>>
      tpu.wait_dma2 semaphore(%run_scoped3A : memref<!tpu.dma_semaphore, #tpu.memory_space<semaphore_mem>>) src(%dma_wait3A_31 : memref<1024xi32, #tpu.memory_space<hbm>>) dst(%arg8 : memref<1024xi32, #tpu.memory_space<vmem>>)
      tpu.yield
    }) : () -> ()
    %broadcast_in_dim3A = arith.constant 0 : i32
    %broadcast_in_dim3A_21 = vector.broadcast %broadcast_in_dim3A : i32 to vector<16xi32>
    %swap3A = arith.constant 2048 : index
    %swap3A_22 = tpu.vector_load %arg7[%swap3A] {strides = array<i32>} : memref<2064xi32, #tpu.memory_space<vmem>>, vector<16xi32>,
    tpu.vector_store %arg7[%swap3A], %broadcast_in_dim3A_21 {strides = array<i32>} : memref<2064xi32, #tpu.memory_space<vmem>>, vector<16xi32>,
    %scan3A = arith.constant 0 : i32
    %scan3A_23 = arith.constant 0 : i32
    %scan3A_24 = arith.constant 64 : i32
    %scan3A_25 = arith.addi %scan3A_23, %scan3A_24 : i32
    %scan3A_26 = arith.constant 1 : i32
    scf.for %scan3A_30 = %scan3A_23 to %scan3A_25 step %scan3A_26  : i32 {
      %mul3A_31 = arith.constant 16 : i32
      %mul3A_32 = arith.muli %scan3A_30, %mul3A_31 : i32
      %get3A = arith.index_cast %mul3A_32 : i32 to index
      %get3A_33 = tpu.vector_load %arg8[%get3A] {strides = array<i32>} : memref<1024xi32, #tpu.memory_space<vmem>>, vector<16xi32>,
      %gather3A = tpu.vector_load_idx %arg7[%get3A_33] : memref<2064xi32, #tpu.memory_space<vmem>>[vector<16xi32>], vector<16xi32>,
      %mul3A_34 = arith.constant 16 : i32
      %mul3A_35 = arith.muli %scan3A_30, %mul3A_34 : i32
      %swap3A_36 = arith.index_cast %mul3A_35 : i32 to index
      %swap3A_37 = tpu.vector_load %arg9[%swap3A_36] {strides = array<i32>} : memref<1024xi32, #tpu.memory_space<vmem>>, vector<16xi32>,
      tpu.vector_store %arg9[%swap3A_36], %gather3A {strides = array<i32>} : memref<1024xi32, #tpu.memory_space<vmem>>, vector<16xi32>,
    }
    %scan3A_27 = arith.constant 64 : i32
    "tpu.region"() ({
      %run_scoped3A = tpu.sem_alloc : memref<!tpu.dma_semaphore, #tpu.memory_space<semaphore_mem>>
      %dma_start3A = tpu.memref_slice %arg5[%mul3A_18] : memref<32768xi32, #tpu.memory_space<hbm>> -> memref<1024xi32, #tpu.memory_space<hbm>>
      %dma_start3A_30 = tpu.memref_slice %arg5[%mul3A_18] : memref<32768xi32, #tpu.memory_space<hbm>> -> memref<1024xi32, #tpu.memory_space<hbm>>
      tpu.enqueue_dma source(%arg9 : memref<1024xi32, #tpu.memory_space<vmem>>) target(%dma_start3A_30 : memref<1024xi32, #tpu.memory_space<hbm>>) target_semaphore(%run_scoped3A : memref<!tpu.dma_semaphore, #tpu.memory_space<semaphore_mem>>)
      %dma_wait3A = tpu.memref_slice %arg5[%mul3A_18] : memref<32768xi32, #tpu.memory_space<hbm>> -> memref<1024xi32, #tpu.memory_space<hbm>>
      %dma_wait3A_31 = tpu.memref_slice %arg5[%mul3A_18] : memref<32768xi32, #tpu.memory_space<hbm>> -> memref<1024xi32, #tpu.memory_space<hbm>>
      tpu.wait_dma2 semaphore(%run_scoped3A : memref<!tpu.dma_semaphore, #tpu.memory_space<semaphore_mem>>) src(%arg9 : memref<1024xi32, #tpu.memory_space<vmem>>) dst(%dma_wait3A_31 : memref<1024xi32, #tpu.memory_space<hbm>>)
      tpu.yield
    }) : () -> ()
    %eq3A = arith.constant 0 : i32
    %eq3A_28 = arith.cmpi eq, %add3A, %eq3A : i32
    %convert_element_type3A = arith.extui %eq3A_28 : i1 to i32
    %cond3A = arith.constant 0 : i32
    %cond3A_29 = arith.cmpi ne, %convert_element_type3A, %cond3A : i32
    scf.if %cond3A_29 {
      "tpu.region"() ({
        %run_scoped3A = tpu.sem_alloc : memref<!tpu.dma_semaphore, #tpu.memory_space<semaphore_mem>>
        tpu.enqueue_dma source(%arg4 : memref<16xi32, #tpu.memory_space<hbm>>) target(%arg10 : memref<16xi32, #tpu.memory_space<vmem>>) target_semaphore(%run_scoped3A : memref<!tpu.dma_semaphore, #tpu.memory_space<semaphore_mem>>)
        tpu.wait_dma2 semaphore(%run_scoped3A : memref<!tpu.dma_semaphore, #tpu.memory_space<semaphore_mem>>) src(%arg4 : memref<16xi32, #tpu.memory_space<hbm>>) dst(%arg10 : memref<16xi32, #tpu.memory_space<vmem>>)
        tpu.yield
      }) : () -> ()
      "tpu.region"() ({
        %run_scoped3A = tpu.sem_alloc : memref<!tpu.dma_semaphore, #tpu.memory_space<semaphore_mem>>
        tpu.enqueue_dma source(%arg10 : memref<16xi32, #tpu.memory_space<vmem>>) target(%arg6 : memref<16xi32, #tpu.memory_space<hbm>>) target_semaphore(%run_scoped3A : memref<!tpu.dma_semaphore, #tpu.memory_space<semaphore_mem>>)
        tpu.wait_dma2 semaphore(%run_scoped3A : memref<!tpu.dma_semaphore, #tpu.memory_space<semaphore_mem>>) src(%arg10 : memref<16xi32, #tpu.memory_space<vmem>>) dst(%arg6 : memref<16xi32, #tpu.memory_space<hbm>>)
        tpu.yield
      }) : () -> ()
    } else {
    }
    return
  }
}

</mosaic_0001>

<sc_bundles>
// kernel: kernel.3.cloned.1.call-start
scs
__scs_entry_jumppad:
0x0: {  	(pc) =	sbr.rel $0x88, $3  }
0x1: {  	(tag) =	ssettag $0x0;
	lr =	simm.s32 $0x1  }
0x2: {  	[smem:$0x3FA0] =	sst lr;
	_ =	strace $0xD0000000  }
0x3: {  	_ = 	snop  }
0x4: {  	_ = 	snop  }
0x5: {  	_ = 	snop  }
0x6: {  	_ = 	snop  }
0x7: {  	_ = 	snop  }
__scs_overlays_trampoline_lowered:
0x8: {  	[smem:$0x3FAF] =	sst s0  }
0x9: {  	[smem:$0x3FB0] =	sst s1  }
0xa: {  	[smem:$0x3FB1] =	sst s2  }
0xb: {  	[smem:$0x3FB2] =	sst s3  }
0xc: {  	[smem:$0x3FB3] =	sst s4  }
0xd: {  	[smem:$0x3FB4] =	sst s5  }
0xe: {  	[smem:$0x3FB5] =	sst s6  }
0xf: {  	[smem:$0x3FB6] =	sst s7  }
0x10: {  	[smem:$0x3FB7] =	sst s8  }
0x11: {  	[smem:$0x3FB8] =	sst s9;
	s0 =	simm.s32 @!p0 $0x0  }
0x12: {  	s1 =	sld [smem:$0x3F9E];
	s0 =	simm.s32 @p0 $0x1  }
0x13: {  	[smem:$0x3FB9] =	sst s0;
	s0 =	simm.s32 @!p1 $0x0  }
0x14: {  	s2 =	sld [smem:$0x3F9D];
	s0 =	simm.s32 @p1 $0x1  }
0x15: {  	[smem:$0x3FBA] =	sst s0;
	s0 =	simm.s32 @!p2 $0x0  }
0x16: {  	s3 =	sld [smem:$0x3FDB];
	s0 =	simm.s32 @p2 $0x1  }
0x17: {  	s4 =	simm.s32 $0x1BF5;
	[smem:$0x3FBC] =	sst s0  }
0x18: {  	s0 =	sld [smem:$0x3F9F];
	_ =	swait.ge [sflag:s4], $0x0  }
0x19: {  	s7 =	sld [smem:$0x3FA0]  }
0x1a: {  	s8 =	sadd.s32 $0xFFFFE003, lr  }
0x1b: {  	s9 =	sadd.s32 $0xFFFFFEF7, lr;
	s5 =	simm.s32 $0xFFFFFFFF;
	p2 =	slt.u32 s8, $0xFFFFF086  }
0x1c: {  	p1 =	slt.u32 s9, $0xF7A;
	s5 =	simm.s32 @!p2 $0x0  }
0x1d: {  	s5 =	simm.s32 @p1 $0x1;
	p0 =	seq.s32 s7, s2  }
0x1e: {  	s7 =	smul.u32 @!p0 $0xF7A, s2;
	p2 =	seq.s32 @!p0 s5, $0x0  }
0x1f: {  	s9 =	smul.u32 $0xF7A, s1;
	s8 =	simm.s32 @!p0 $0x1BF5;
	p2 =	por !p2, p0  }
0x20: {  	[sflag:s8] =	ssyncset.s32 @!p0 $0xFFFFF086;
	s6 =	sadd.s32 @!p0 s3, s7;
	s7 =	simm.s32 @!p0 $0x108  }
0x21: {  	s3 =	sadd.s32 s3, s9;
	s6 =	sadd.s32 @!p0 $0x88, s6;
	s7 =	simm.s32 @p2 $0x1082  }
0x22: {  	[simem:s7], [sflag:s8] =	dma.local @!p0 [hbm:s6], $0xF7A  }
0x23: {  	s9 =	sor.u32 $0xD0000000, s2;
	s6 =	simm.s32 $0x108;
	_ =	swait.ge @!p0 [sflag:s8], $0x0  }
0x24: {  	s3 =	sadd.s32 $0x88, s3;
	s6 =	simm.s32 @!p1 $0x1082;
	[sflag:s4] =	ssyncset.s32 $0xFFFFF086  }
0x25: {  	[simem:s6], [sflag:s4] =	dma.local [hbm:s3], $0xF7A  }
0x26: {  	[smem:$0x3FA0] =	sst s1;
	(tag) =	ssettag s2;
	_ =	strace s9  }
0x27: {  	s1 =	sld [smem:$0x3FB0]  }
0x28: {  	s2 =	sld [smem:$0x3FB1]  }
0x29: {  	s4 =	sld [smem:$0x3FB3]  }
0x2a: {  	p0 =	seq.s32 s5, $0x0;
	s5 =	sld [smem:$0x3FB4]  }
0x2b: {  	s6 =	sld [smem:$0x3FB5]  }
0x2c: {  	s7 =	sld [smem:$0x3FB6]  }
0x2d: {  	s3 =	simm.s32 $0x108;
	s8 =	sld [smem:$0x3FB7]  }
0x2e: {  	s3 =	simm.s32 @!p0 $0x1082;
	s9 =	sld [smem:$0x3FB8]  }
0x2f: {  	lr =	sadd.s32 s0, s3;
	s0 =	sld [smem:$0x3FAF]  }
0x30: {  	s3 =	sld [smem:$0x3FB2]  }
0x31: {  	[smem:$0x3FBB] =	sst s10  }
0x32: {  	s10 =	sld [smem:$0x3FB9];
	_ =	sdelay $0x3  }
0x33: {  	p0 =	seq.s32 s10, $0x1;
	s10 =	sld [smem:$0x3FBB];
	_ =	sdelay $0x3  }
0x34: {  	[smem:$0x3FBB] =	sst s10  }
0x35: {  	s10 =	sld [smem:$0x3FBA];
	_ =	sdelay $0x3  }
0x36: {  	p1 =	seq.s32 s10, $0x1;
	s10 =	sld [smem:$0x3FBB];
	_ =	sdelay $0x3  }
0x37: {  	[smem:$0x3FBB] =	sst s10  }
0x38: {  	s10 =	sld [smem:$0x3FBC]  }
0x39: {  	_ = 	snop;
	(pc) =	sbr.ind lr, $3  }
0x3a: {  	_ = 	snop  }
0x3b: {  	_ = 	snop  }
0x3c: {  	p2 =	seq.s32 s10, $0x1;
	s10 =	sld [smem:$0x3FBB]  }
0x3d: {  	_ =	shalt  }
0x3e: {  	_ =	shalt  }
0x3f: {  	_ =	shalt  }
0x40: {  	_ =	shalt  }
0x41: {  	_ =	shalt  }
0x42: {  	_ =	shalt  }
0x43: {  	_ =	shalt  }
0x44: {  	_ =	shalt  }
0x45: {  	_ =	shalt  }
0x46: {  	_ =	shalt  }
0x47: {  	_ =	shalt  }
0x48: {  	_ =	shalt  }
0x49: {  	_ =	shalt  }
0x4a: {  	_ =	shalt  }
0x4b: {  	_ =	shalt  }
0x4c: {  	_ =	shalt  }
0x4d: {  	_ =	shalt  }
0x4e: {  	_ =	shalt  }
0x4f: {  	_ =	shalt  }
0x50: {  	_ =	shalt  }
0x51: {  	_ =	shalt  }
0x52: {  	_ =	shalt  }
0x53: {  	_ =	shalt  }
0x54: {  	_ =	shalt  }
0x55: {  	_ =	shalt  }
0x56: {  	_ =	shalt  }
0x57: {  	_ =	shalt  }
0x58: {  	_ =	shalt  }
0x59: {  	_ =	shalt  }
0x5a: {  	_ =	shalt  }
0x5b: {  	_ =	shalt  }
0x5c: {  	_ =	shalt  }
0x5d: {  	_ =	shalt  }
0x5e: {  	_ =	shalt  }
0x5f: {  	_ =	shalt  }
0x60: {  	_ =	shalt  }
0x61: {  	_ =	shalt  }
0x62: {  	_ =	shalt  }
0x63: {  	_ =	shalt  }
0x64: {  	_ =	shalt  }
0x65: {  	_ =	shalt  }
0x66: {  	_ =	shalt  }
0x67: {  	_ =	shalt  }
0x68: {  	_ =	shalt  }
0x69: {  	_ =	shalt  }
0x6a: {  	_ =	shalt  }
0x6b: {  	_ =	shalt  }
0x6c: {  	_ =	shalt  }
0x6d: {  	_ =	shalt  }
0x6e: {  	_ =	shalt  }
0x6f: {  	_ =	shalt  }
0x70: {  	_ =	shalt  }
0x71: {  	_ =	shalt  }
0x72: {  	_ =	shalt  }
0x73: {  	_ =	shalt  }
0x74: {  	_ =	shalt  }
0x75: {  	_ =	shalt  }
0x76: {  	_ =	shalt  }
0x77: {  	_ =	shalt  }
0x78: {  	_ =	shalt  }
0x79: {  	_ =	shalt  }
0x7a: {  	_ =	shalt  }
0x7b: {  	_ =	shalt  }
0x7c: {  	_ =	shalt  }
0x7d: {  	_ =	shalt  }
0x7e: {  	_ =	shalt  }
0x7f: {  	_ =	shalt  }
0x80: {  	_ =	shalt  }
0x81: {  	_ =	shalt  }
0x82: {  	_ =	shalt  }
0x83: {  	_ =	shalt  }
0x84: {  	_ =	shalt  }
0x85: {  	_ =	shalt  }
0x86: {  	_ =	shalt  }
0x87: {  	_ =	shalt  }
.Lfunc_end0:
.L_simem_size_0:
called_computation_lowered:
.L_overlay_start_0:
0x88: {  	s2 =	sld [smem:$0x3FD9]  }
0x89: {  	s3 =	sld [smem:$0x3FFE];
	_ =	sdelay $0x1  }
0x8a: {  	s1 =	srdreg.scid  }
0x8b: {  	s0 =	sand.u32 $0x1, s1  }
0x8c: {  	s14 =	sshll.u32 s0, $0xA;
	s2 =	sadd.s32 s3, s2  }
0x8d: {  	s2 =	sadd.s32 s2, s14  }
0x8e: {  	[smem:$0x3FC7] =	sst s2  }
0x8f: {  	_ = 	snop  }
0x90: {  	s2 =	sld [smem:$0x3FD0];
	_ =	sdelay $0x2  }
0x91: {  	s15 =	simm.s32 $0xA;
	s4 =	simm.s32 $0x10  }
0x92: {  	[smem:s4], [sflag:s15] =	dma.local [hbm:s2], $0x1  }
0x93: {  	_ =	swait.eq [sflag:s15], $0x1  }
0x94: {  	[sflag:s15] =	ssyncset.done $0x0  }
0x95: {  	s16 =	sld [smem:$0x10];
	[sflag:s15] =	ssyncadd.s32 $0xFFFFFFFF  }
0x96: {  	s17 =	sld [smem:$0x11];
	(tm) =	ssettm $0x1  }
0x97: {  	s18 =	sld [smem:$0x3FFB];
	_ =	sdelay $0x3  }
0x98: {  	_ =	strace s18  }
0x99: {  	s4 =	sld [smem:$0x3FFC];
	_ =	sdelay $0x3  }
0x9a: {  	_ =	strace s4  }
0x9b: {  	s4 =	sld [smem:$0x3FFD];
	_ =	sdelay $0x3  }
0x9c: {  	_ =	strace s4  }
0x9d: {  	_ =	strace $0x8FFFFFFF  }
0x9e: {  	s19 =	sld [smem:$0x3FDB];
	_ =	sdelay $0x1  }
0x9f: {  	s5 =	simm.s32 $_scs_section_size  }
0xa0: {  	s6 =	simm.s32 $_size__tile_overlayer_lowered;
	s7 =	simm.s32 $_tile_overlayer_lowered  }
0xa1: {  	s22 =	simm.s32 $0x1BFF;
	s21 =	sshll.u32 s7, $0x1;
	s4 =	sadd.s32 s5, s19  }
0xa2: {  	s8 =	simm.s32 $0x0;
	s20 =	sshll.u32 s6, $0x1;
	s6 =	sadd.s32 s21, s4  }
0xa3: {  	[timem:s8], [sflag:s22] =	dma.local [hbm:s6], s20  }
0xa4: {  	_ =	swait.ge [sflag:s22], s20  }
0xa5: {  	s5 =	ssub.s32 $0x0, s20;
	[sflag:s22] =	ssyncset.done $0x0  }
0xa6: {  	[sflag:s22] =	ssyncadd.s32 s5;
	_ =	sdelay $0x1  }
0xa7: {  	s23 =	simm.s32 $0x1B8B  }
0xa8: {  	_ =	swait.ge [sflag:s23], $0x1  }
0xa9: {  	[sflag:s23] =	ssyncset.done $0x0  }
0xaa: {  	s25 =	simm.s32 $0x1B8E;
	s24 =	sld [smem:$0x3FFE];
	[sflag:s23] =	ssyncadd.s32 $0xFFFFFFFF  }
0xab: {  	s26 =	simm.s32 $execute0_lowered;
	[smem:$0x3FD2] =	sst s25  }
0xac: {  	s6 =	sshll.u32 s26, $0x1;
	_ =	strace $0x80000046;
	[dreg:$0x1] =	wrdreg $0xFFFFFFFF  }
0xad: {  	s28 =	simm.s32 $_size_execute0_lowered;
	s4 =	sadd.s32 s4, s6;
	[dreg:$0x0] =	wrdreg $0x0  }
0xae: {  	s6 =	sshll.u32 s28, $0x1;
	[dreg:$0x2] =	wrdreg s4  }
0xaf: {  	[dreg:$0x3] =	wrdreg s6  }
0xb0: {  	[dreg:$0x4] =	wrdreg $0xC0  }
0xb1: {  	_ =	task [dreg:s8], $0x5FFFF  }
0xb2: {  	[dreg:$0x1] =	wrdreg $0xFFFFFFFF  }
0xb3: {  	[dreg:$0x0] =	wrdreg $0x60  }
0xb4: {  	[dreg:$0x2] =	wrdreg s16  }
0xb5: {  	[dreg:$0x3] =	wrdreg s24  }
0xb6: {  	[dreg:$0x4] =	wrdreg s17  }
0xb7: {  	[dreg:$0x5] =	wrdreg $0x9  }
0xb8: {  	_ =	task.clear_ibuf [dreg:s8], $0x6FFFF;
	_ =	strace $0x90000046  }
0xb9: {  	s29 =	simm.s32 $0x9;
	_ =	strace $0x80000048  }
0xba: {  	_ =	swait.ge [sflag:s29], $0x1  }
0xbb: {  	[sflag:s29] =	ssyncadd.s32 $0xFFFFFFFF  }
0xbc: {  	_ =	strace $0x90000048  }
0xbd: {  	_ =	sfence  }
0xbe: {  	s30 =	sld [smem:$0x0];
	_ =	sdelay $0x2  }
0xbf: {  	s31 =	sshll.u32 s1, $0xD;
	s1 =	sshrl.u32 s1, $0x2  }
0xc0: {  	s3 =	sand.u32 $0x4000, s31;
	s1 =	sadd.s32 s1, s30  }
0xc1: {  	s0 =	sor.u32 s3, s0;
	s1 =	sshll.u32 s1, $0x11  }
0xc2: {  	s0 =	sor.u32 s1, s0  }
0xc3: {  	s0 =	sadd.s32 $0x8F2B, s0  }
0xc4: {  	[sflag:s0] =	ssyncadd.remote.s32 $0x1  }
0xc5: {  	_ =	sfence.sel $0xFFFF  }
0xc6: {  	[dreg:$0x0] =	wrdreg $0xFFFFFFFF;
	(pc) =	sbr.abs _section_cstart, $3  }
0xc7: {  	[dreg:$0x1] =	wrdreg $0xFFFFFFFF  }
0xc8: {  	_ =	task.clear_ibuf [dreg:s8], $0x2FFFF;
	_ =	strace $0x9FFFFFFF  }
0xc9: {  	(tm) =	ssettm $0x7FFFFFFF  }
tec
execute0_lowered:
.L_overlay_start_1:
0x0: {  	(tag) =	ssettag $0x1  }
0x1: {  	s6 =	rddreg [dreg:$0x0]  }
0x2: {  	s1 =	srdreg.scid;
	s7 =	rddreg [dreg:$0x1]  }
0x3: {  	s0 =	stileid.u32;
	s2 =	rddreg [dreg:$0x2];
	s3 =	simm.s32 $0x0  }
0x4: {  	s8 =	simm.s32 $0x1;
	s5 =	sand.u32 $0x1, s1;
	s30 =	sshll.u32 s0, $0x1  }
0x5: {  	s12 =	simm.s32 $0x0;
	s1 =	rddreg [dreg:$0x3];
	s11 =	sor.u32 s5, s30  }
0x6: {  	[smem:$0x7FF] =	sst s3;
	p1 =	seq.s32 s5, $0x1;
	p0 =	seq.s32 s11, $0x0  }
0x7: {  	s4 =	sadd.s32 $0xC00, s7;
	_ =	strace $0x80000047;
	p0 =	por !p0, !p1  }
0x8: {  	s5 =	ssub.s32 $0x2, s5;
	s9 =	sshll.u32 s11, $0x7;
	p0 =	por !p0, !p0  }
0x9: {  	s10 =	sshrl.u32 s5, $0x1;
	s9 =	sadd.s32 s9, s7;
	s8 =	simm.s32 @!p0 $0x0  }
0xa: {  	s10 =	ssub.s32 s5, s10;
	s5 =	simm.s32 $0x1;
	s8 =	ssub.s32 s0, s8  }
0xb: {  	s7 =	sadd.s32 $0xE00, s9;
	p0 =	sne.s32 s11, $0x0;
	s8 =	sshll.u32 s8, $0x8  }
0xc: {  	s11 =	simm.s32 $0xC80;
	s31 =	sand.u32 $0x1FFFFF00, s8;
	s8 =	sadd.s32 $0x1E00, s9  }
0xd: {  	v0 =	vimm.s32 $0x0;
	s9 =	smax.u32 s10, $0x1;
	s10 =	simm.s32 $0x880;
	s6 =	sadd.s32 s6, s31  }
.LBB2_1:
0xe: {  	[tilespmem:s3], [sflag:$0x1] =	stream.linear.gather [hbm4b:s6+s3], $0x800, $0x38;
	[tilespmem:$0x1100] =	vst v63  }
0xf: {  	_ =	swait.ge [sflag:s5], $0x800  }
0x10: {  	[sflag:s5] =	ssyncset.done $0x0  }
0x11: {  	[sflag:s5] =	ssyncadd.s32 $0xFFFFF800  }
0x12: {  	[tilespmem:s10], [sflag:$0x1] =	stream.linear.gather [hbm4b:s7+s3], $0x400, $0x38;
	[tilespmem:$0x1100] =	vst v63  }
0x13: {  	_ =	swait.ge [sflag:s5], $0x400  }
0x14: {  	[sflag:s5] =	ssyncset.done $0x0  }
0x15: {  	[sflag:s5] =	ssyncadd.s32 $0xFFFFFC00  }
0x16: {  	s13 =	simm.s32 $0x0;
	[tilespmem:$0x800] =	vst v0  }
0x17: {  	v1 =	vld [tilespmem:s13+$0x880];
	_ =	sdelay $0x7  }
0x18: {  	s14 =	simm.s32 $0x10;
	s15 =	simm.s32 $0x80;
	v1 =	vld.idx.msk [tilespmem:v1+s3+$0x0], $0xffff  }
.LBB2_2:
0x19: {  	p1 =	sne.s32 s15, $0xFC0;
	v2 =	vld [tilespmem:s14+$0x880];
	_ =	sdelay $0x3  }
.Ltmp0:
0x1a: {  	(pc) =	sbr.rel @p1 .LBB2_2-.Ltmp0, $2  }
0x1b: {  	[tilespmem:s13+$0xC80] =	vst v1;
	s13 =	smov.u32 s14;
	_ =	sdelay $0x2  }
0x1c: {  	s14 =	sshra.s32 s15, $0x2;
	s15 =	sadd.s32 $0x40, s15;
	v1 =	vld.idx.msk [tilespmem:v2+s3+$0x0], $0xffff  }
0x1d: {  	v2 =	vld [tilespmem:s14+$0x880];
	_ =	sdelay $0x6  }
0x1e: {  	[tilespmem:s13+$0xC80] =	vst v1  }
0x1f: {  	v1 =	vld.idx.msk [tilespmem:v2+s3+$0x0], $0xffff;
	_ =	sdelay $0x4  }
0x20: {  	[tilespmem:s14+$0xC80] =	vst v1  }
0x21: {  	[hbm4b:s8+s3] =	stream.linear.scatter [tilespmem:s11], [sflag:$0x1], $0x400, $0x38;
	[tilespmem:$0x1100] =	vst v63  }
0x22: {  	_ =	swait.ge [sflag:s5], $0x400  }
0x23: {  	s15 =	simm.s32 @!p0 $0x1;
	[sflag:s5] =	ssyncset.done $0x0  }
0x24: {  	s13 =	simm.s32 @!p0 $0x0;
	s14 =	simm.s32 @!p0 $0x1080;
	[sflag:s5] =	ssyncadd.s32 $0xFFFFFC00  }
0x25: {  	[tilespmem:s14], [sflag:$0x1] =	stream.linear.gather @!p0 [hbm4b:s4+s13], $0x80, $0x38;
	[tilespmem:$0x1100] =	vst v63  }
0x26: {  	s12 =	sadd.s32 $0x1, s12;
	_ =	swait.ge @!p0 [sflag:s15], $0x80  }
0x27: {  	p1 =	sne.s32 s12, s9;
	[sflag:s15] =	ssyncset.done @!p0 $0x0  }
.Ltmp1:
0x28: {  	[sflag:s15] =	ssyncadd.s32 @!p0 $0xFFFFFF80;
	(pc) =	sbr.rel @p1 .LBB2_1-.Ltmp1, $4  }
0x29: {  	[hbm4b:s2+s13] =	stream.linear.scatter @!p0 [tilespmem:s14], [sflag:$0x1], $0x80, $0x38;
	[tilespmem:$0x1100] =	vst v63  }
0x2a: {  	_ =	swait.ge @!p0 [sflag:s15], $0x80  }
0x2b: {  	[sflag:s15] =	ssyncset.done @!p0 $0x0  }
0x2c: {  	[sflag:s15] =	ssyncadd.s32 @!p0 $0xFFFFFF80  }
0x2d: {  	_ =	sfence.sel $0x180000  }
0x2e: {  	[bflag:$0x0] =	sbarrier.arrive $0xFFFF  }
0x2f: {  	p0 =	sne.s32 s0, $0x0;
	_ =	strace $0x90000047  }
0x30: {  	s0 =	sadd.s32 @!p0 $0x100000, s1;
	[bflag:$0x2] =	sbarrier.arrive $0xFFFF  }
0x31: {  	[sflag:s0] =	ssyncadd.tile.s32 @!p0 $0x1;
	_ =	shalt  }
.Lfunc_end2:
_tile_overlayer_lowered:
.L_overlay_start_2:
0x32: {  	(tag) =	ssettag $0x2  }
0x33: {  	s0 =	rddreg [dreg:$0x0];
	s2 =	stileid.u32  }
0x34: {  	s1 =	rddreg [dreg:$0x1];
	p0 =	sne.s32 s2, $0x0  }
0x35: {  	s3 =	rddreg [dreg:$0x2];
	[bflag:$0x3] =	sbarrier.arrive $0xFFFF;
	s2 =	simm.s32 @!p0 $0x1C01  }
0x36: {  	[timem:s3], [sflag:s2] =	dma.local @!p0 [hbm:s0], s1  }
0x37: {  	s0 =	simm.s32 @!p0 $0x1  }
0x38: {  	_ =	swait.ge @!p0 [sflag:s0], s1  }
0x39: {  	s1 =	ssub.s32 @!p0 $0x0, s1;
	[sflag:s0] =	ssyncset.done @!p0 $0x0  }
0x3a: {  	[sflag:s0] =	ssyncadd.s32 @!p0 s1  }
0x3b: {  	[bflag:$0x3] =	sbarrier.arrive $0xFFFF  }
0x3c: {  	_ =	shalt  }

</sc_bundles>
